<compile_context>
chip_gen: v7x
topology: tpu7x:2x2x1
jax: 0.10.2.dev20260603
libtpu: 0.0.44.dev20260713+nightly
codegen_flags: <defaults>
</compile_context>

<pallas_src>
import functools

import jax
import jax.numpy as jnp
from jax.experimental import pallas as pl
from jax.experimental.pallas import tpu as pltpu
from jax.experimental.pallas import tpu_sc as plsc



def _enc_body(x_ref, w1_ref, b1_ref, w2_ref, b2_ref, w3_ref, b3_ref, wc_ref,
              ze_ref, idx_ref):
    xb = x_ref[...]
    h = jnp.dot(xb, w1_ref[...], preferred_element_type=jnp.float32) + b1_ref[...]
    h = jnp.maximum(h, 0.0)
    h = jnp.dot(h, w2_ref[...], preferred_element_type=jnp.float32) + b2_ref[...]
    h = jnp.maximum(h, 0.0)
    ze = jnp.dot(h, w3_ref[...], preferred_element_type=jnp.float32) + b3_ref[...]
    ze_ref[...] = ze

    wc = wc_ref[...]
    cnorm = jnp.sum(wc * wc, axis=0, keepdims=True)
    dist = cnorm - 2.0 * jnp.dot(ze, wc, preferred_element_type=jnp.float32)
    idx = jnp.argmin(dist, axis=1).astype(jnp.int32)
    idx_ref[...] = idx.reshape(1, 1, -1)


def _encode_tc(xc, W1, b1r, W2, b2r, W3, b3r, Wc, bb):
    n, IN = xc.shape
    EMB = W3.shape[1]
    grid = (n // bb,)

    def full(a):
        return pl.BlockSpec(a.shape, lambda i: (0,) * a.ndim)

    out_shapes = (
        jax.ShapeDtypeStruct((n, EMB), jnp.float32),
        jax.ShapeDtypeStruct((n // bb, 1, bb), jnp.int32),
    )
    out_specs = (
        pl.BlockSpec((bb, EMB), lambda i: (i, 0)),
        pl.BlockSpec((1, 1, bb), lambda i: (i, 0, 0)),
    )
    in_specs = [pl.BlockSpec((bb, IN), lambda i: (i, 0))] + [
        full(a) for a in (W1, b1r, W2, b2r, W3, b3r, Wc)]
    return pl.pallas_call(
        _enc_body,
        grid=grid,
        in_specs=in_specs,
        out_specs=out_specs,
        out_shape=out_shapes,
    )(xc, W1, b1r, W2, b2r, W3, b3r, Wc)



_NC, _NS = 2, 16
_NW = _NC * _NS
_CH = 128


def _gather_sc(table, idx_flat):
    n = idx_flat.shape[0]
    emb_dim = table.shape[1]
    bpw = n // _NW
    mesh = plsc.VectorSubcoreMesh(core_axis_name="c", subcore_axis_name="s")

    @functools.partial(
        pl.kernel,
        out_type=jax.ShapeDtypeStruct((n, emb_dim), jnp.float32),
        mesh=mesh,
        scratch_types=[
            pltpu.VMEM((_CH,), jnp.int32),
            pltpu.VMEM((_CH, emb_dim), jnp.float32),
            pltpu.SemaphoreType.DMA,
        ])
    def k(tab_hbm, i_hbm, o_hbm, idx_v, rows_v, sem):
        wid = jax.lax.axis_index("s") * _NC + jax.lax.axis_index("c")
        base = wid * bpw
        for j in range(bpw // _CH):
            off = base + j * _CH
            pltpu.sync_copy(i_hbm.at[pl.ds(off, _CH)], idx_v)
            pltpu.async_copy(tab_hbm.at[idx_v], rows_v, sem).wait()
            pltpu.sync_copy(rows_v, o_hbm.at[pl.ds(off, _CH)])

    return k(table, idx_flat)



def _dec_body(emb_ref, d1_ref, c1_ref, d2_ref, c2_ref, d3_ref, c3_ref, xr_ref):
    h = jnp.dot(emb_ref[...], d1_ref[...],
                preferred_element_type=jnp.float32) + c1_ref[...]
    h = jnp.maximum(h, 0.0)
    h = jnp.dot(h, d2_ref[...], preferred_element_type=jnp.float32) + c2_ref[...]
    h = jnp.maximum(h, 0.0)
    xr_ref[...] = (jnp.dot(h, d3_ref[...], preferred_element_type=jnp.float32)
                   + c3_ref[...])


def _decode_tc(embc, D1, c1r, D2, c2r, D3, c3r, bb):
    n, EMB = embc.shape
    IN = D3.shape[1]
    grid = (n // bb,)

    def full(a):
        return pl.BlockSpec(a.shape, lambda i: (0,) * a.ndim)

    in_specs = [pl.BlockSpec((bb, EMB), lambda i: (i, 0))] + [
        full(a) for a in (D1, c1r, D2, c2r, D3, c3r)]
    return pl.pallas_call(
        _dec_body,
        grid=grid,
        in_specs=in_specs,
        out_specs=pl.BlockSpec((bb, IN), lambda i: (i, 0)),
        out_shape=jax.ShapeDtypeStruct((n, IN), jnp.float32),
    )(embc, D1, c1r, D2, c2r, D3, c3r)



@functools.partial(jax.jit, static_argnames=("bb", "nchunk"))
def _run(x, W1, b1, W2, b2, W3, b3, Wc, D1, c1, D2, c2, D3, c3,
         bb=2048, nchunk=2):
    B = x.shape[0]
    b1r, b2r, b3r = b1[None, :], b2[None, :], b3[None, :]
    c1r, c2r, c3r = c1[None, :], c2[None, :], c3[None, :]
    table = Wc.T

    cs = B // nchunk
    zes, idxs = [], []
    for c in range(nchunk):
        ze_c, idx_c = _encode_tc(x[c * cs:(c + 1) * cs],
                                 W1, b1r, W2, b2r, W3, b3r, Wc, bb)
        zes.append(ze_c)
        idxs.append(idx_c)
    embs = [_gather_sc(table, idx_c.reshape(cs)) for idx_c in idxs]
    xrs = [_decode_tc(emb_c, D1, c1r, D2, c2r, D3, c3r, bb) for emb_c in embs]
    x_recon = jnp.concatenate(xrs, axis=0)
    z_e = jnp.concatenate(zes, axis=0)
    emb = jnp.concatenate(embs, axis=0)
    return x_recon, z_e, emb


def kernel(x, W1, b1, W2, b2, W3, b3, Wc, D1, c1, D2, c2, D3, c3):
    x_recon, z_e, emb = _run(x, W1, b1, W2, b2, W3, b3, Wc,
                             D1, c1, D2, c2, D3, c3)
    return (x_recon, z_e, emb)

# --- scband reference (transcript-rebuilt; emitter-appended) ---
"""Pipeline reference for scband-vq-vae-64089501991319 (READ-ONLY COPY).

The authoritative reference and input builder live on the scoring server;
editing this copy changes nothing except your own understanding.
"""

import jax, jax.numpy as jnp
import numpy as np

B = 8192
INPUT_DIM = 128
HIDDEN = 1024
CODEBOOK = 1024
EMB = 128


def _init_linear(key, fan_in, fan_out):
    bound = 1.0 / np.sqrt(fan_in)
    kw, kb = jax.random.split(key)
    W = jax.random.uniform(kw, (fan_in, fan_out), jnp.float32, -bound, bound)
    b = jax.random.uniform(kb, (fan_out,), jnp.float32, -bound, bound)
    return W, b


def setup_inputs(seed: int = 0):
    key = jax.random.key(seed)
    ks = jax.random.split(key, 8)
    x = jax.random.normal(ks[0], (B, INPUT_DIM), jnp.float32)
    W1, b1 = _init_linear(ks[1], INPUT_DIM, HIDDEN)
    W2, b2 = _init_linear(ks[2], HIDDEN, HIDDEN // 2)
    W3, b3 = _init_linear(ks[3], HIDDEN // 2, EMB)
    # NearestEmbed stores weight as (emb_dim, codebook_size)
    Wc = jax.random.normal(ks[4], (EMB, CODEBOOK), jnp.float32)
    D1, c1 = _init_linear(ks[5], EMB, HIDDEN // 2)
    D2, c2 = _init_linear(ks[6], HIDDEN // 2, HIDDEN)
    D3, c3 = _init_linear(ks[7], HIDDEN, INPUT_DIM)
    return {"x": x, "W1": W1, "b1": b1, "W2": W2, "b2": b2, "W3": W3, "b3": b3,
            "Wc": Wc, "D1": D1, "c1": c1, "D2": D2, "c2": c2, "D3": D3, "c3": c3}


def _encode(x, W1, b1, W2, b2, W3, b3):
    h = jax.nn.relu(x @ W1 + b1)
    h = jax.nn.relu(h @ W2 + b2)
    return h @ W3 + b3


def _decode(z, D1, c1, D2, c2, D3, c3):
    h = jax.nn.relu(z @ D1 + c1)
    h = jax.nn.relu(h @ D2 + c2)
    return h @ D3 + c3


def _nearest_idx(z, Wc):
    # squared L2 distance from each row of z (B, d) to each codebook column of Wc (d, K)
    d2 = jnp.sum(z * z, axis=1, keepdims=True) - 2.0 * (z @ Wc) + jnp.sum(Wc * Wc, axis=0)[None, :]
    return jnp.argmin(d2, axis=1)


def reference(x, W1, b1, W2, b2, W3, b3, Wc, D1, c1, D2, c2, D3, c3):
    z_e = _encode(x, W1, b1, W2, b2, W3, b3)
    # codebook(z_e, weight_sg=True): straight-through to z_e, codebook detached
    idx1 = _nearest_idx(z_e, Wc)
    q1 = jnp.take(Wc.T, idx1, axis=0)
    z_q = z_e + jax.lax.stop_gradient(q1 - z_e)
    # codebook(z_e.detach()): gradient flows to codebook weight only
    z_det = jax.lax.stop_gradient(z_e)
    idx2 = _nearest_idx(z_det, Wc)
    emb = jnp.take(Wc.T, idx2, axis=0)
    x_recon = _decode(z_q, D1, c1, D2, c2, D3, c3)
    return (x_recon, z_e, emb)

if __name__ == "__main__":
    import jax
    _d = setup_inputs()
    print(jax.jit(kernel)(*tuple(_d.values())))

</pallas_src>

<mosaic_0001>
#map = affine_map<(d0, d1) -> (0, 0)>
#map1 = affine_map<(d0, d1) -> (0)>
module attributes {stable_mosaic.version = 14 : i64} {
  func.func @k(%arg0: i32, %arg1: i32, %arg2: memref<1024x128xf32, #tpu.memory_space<hbm>>, %arg3: memref<4096xi32, #tpu.memory_space<hbm>>, %arg4: memref<4096x128xf32, #tpu.memory_space<hbm>>, %arg5: memref<128xi32, #tpu.memory_space<vmem>>, %arg6: memref<128x128xf32, #tpu.memory_space<vmem>>, %arg7: memref<!tpu.dma_semaphore, #tpu.memory_space<semaphore_mem>>) attributes {dimension_semantics = [#tpu.dimension_semantics<core_parallel>, #tpu.dimension_semantics<subcore_parallel>], iteration_bounds = array<i64: 2, 16>, scalar_prefetch = 0 : i64, scratch_operands = 3 : i64, tpu.core_type = #tpu.core_type<sc_vector_subcore>, window_params = [{transform_indices = #map}, {transform_indices = #map1}, {transform_indices = #map}]} {
    %mul3A = arith.constant 2 : i32
    %mul3A_0 = arith.muli %arg1, %mul3A : i32
    %add3A = arith.addi %mul3A_0, %arg0 : i32
    %mul3A_1 = arith.constant 128 : i32
    %mul3A_2 = arith.muli %add3A, %mul3A_1 : i32
    %add3A_3 = arith.constant 0 : i32
    %add3A_4 = arith.addi %mul3A_2, %add3A_3 : i32
    "tpu.region"() ({
      %run_scoped3A = tpu.sem_alloc : memref<!tpu.dma_semaphore, #tpu.memory_space<semaphore_mem>>
      %dma_start3A_9 = tpu.memref_slice %arg3[%add3A_4] : memref<4096xi32, #tpu.memory_space<hbm>> -> memref<128xi32, #tpu.memory_space<hbm>>
      %dma_start3A_10 = tpu.memref_slice %arg3[%add3A_4] : memref<4096xi32, #tpu.memory_space<hbm>> -> memref<128xi32, #tpu.memory_space<hbm>>
      tpu.enqueue_dma source(%dma_start3A_10 : memref<128xi32, #tpu.memory_space<hbm>>) target(%arg5 : memref<128xi32, #tpu.memory_space<vmem>>) target_semaphore(%run_scoped3A : memref<!tpu.dma_semaphore, #tpu.memory_space<semaphore_mem>>)
      %dma_wait3A_11 = tpu.memref_slice %arg3[%add3A_4] : memref<4096xi32, #tpu.memory_space<hbm>> -> memref<128xi32, #tpu.memory_space<hbm>>
      %dma_wait3A_12 = tpu.memref_slice %arg3[%add3A_4] : memref<4096xi32, #tpu.memory_space<hbm>> -> memref<128xi32, #tpu.memory_space<hbm>>
      tpu.wait_dma2 semaphore(%run_scoped3A : memref<!tpu.dma_semaphore, #tpu.memory_space<semaphore_mem>>) src(%dma_wait3A_12 : memref<128xi32, #tpu.memory_space<hbm>>) dst(%arg5 : memref<128xi32, #tpu.memory_space<vmem>>)
      tpu.yield
    }) : () -> ()
    %dma_start3A = arith.constant 0 : i32
    %dma_start3A_5 = arith.constant 0 : i32
    %dma_start3A_6 = tpu.memref_slice %arg2[%dma_start3A, %dma_start3A_5] : memref<1024x128xf32, #tpu.memory_space<hbm>> -> memref<1024x128xf32, #tpu.memory_space<hbm>>
    tpu.enqueue_indirect_dma source(%dma_start3A_6 : memref<1024x128xf32, #tpu.memory_space<hbm>>) target(%arg6 : memref<128x128xf32, #tpu.memory_space<vmem>>) offsets(%arg5 : memref<128xi32, #tpu.memory_space<vmem>>) semaphore(%arg7 : memref<!tpu.dma_semaphore, #tpu.memory_space<semaphore_mem>>)
    %dma_wait3A = arith.constant 0 : i32
    %dma_wait3A_7 = arith.constant 0 : i32
    %dma_wait3A_8 = tpu.memref_slice %arg2[%dma_wait3A, %dma_wait3A_7] : memref<1024x128xf32, #tpu.memory_space<hbm>> -> memref<1024x128xf32, #tpu.memory_space<hbm>>
    tpu.wait_indirect_dma semaphore(%arg7 : memref<!tpu.dma_semaphore, #tpu.memory_space<semaphore_mem>>) src(%dma_wait3A_8 : memref<1024x128xf32, #tpu.memory_space<hbm>>) dst(%arg6 : memref<128x128xf32, #tpu.memory_space<vmem>>)
    "tpu.region"() ({
      %run_scoped3A = tpu.sem_alloc : memref<!tpu.dma_semaphore, #tpu.memory_space<semaphore_mem>>
      %dma_start3A_9 = arith.constant 0 : i32
      %dma_start3A_10 = tpu.memref_slice %arg4[%add3A_4, %dma_start3A_9] : memref<4096x128xf32, #tpu.memory_space<hbm>> -> memref<128x128xf32, #tpu.memory_space<hbm>>
      %dma_start3A_11 = arith.constant 0 : i32
      %dma_start3A_12 = tpu.memref_slice %arg4[%add3A_4, %dma_start3A_11] : memref<4096x128xf32, #tpu.memory_space<hbm>> -> memref<128x128xf32, #tpu.memory_space<hbm>>
      tpu.enqueue_dma source(%arg6 : memref<128x128xf32, #tpu.memory_space<vmem>>) target(%dma_start3A_12 : memref<128x128xf32, #tpu.memory_space<hbm>>) target_semaphore(%run_scoped3A : memref<!tpu.dma_semaphore, #tpu.memory_space<semaphore_mem>>)
      %dma_wait3A_13 = arith.constant 0 : i32
      %dma_wait3A_14 = tpu.memref_slice %arg4[%add3A_4, %dma_wait3A_13] : memref<4096x128xf32, #tpu.memory_space<hbm>> -> memref<128x128xf32, #tpu.memory_space<hbm>>
      %dma_wait3A_15 = arith.constant 0 : i32
      %dma_wait3A_16 = tpu.memref_slice %arg4[%add3A_4, %dma_wait3A_15] : memref<4096x128xf32, #tpu.memory_space<hbm>> -> memref<128x128xf32, #tpu.memory_space<hbm>>
      tpu.wait_dma2 semaphore(%run_scoped3A : memref<!tpu.dma_semaphore, #tpu.memory_space<semaphore_mem>>) src(%arg6 : memref<128x128xf32, #tpu.memory_space<vmem>>) dst(%dma_wait3A_16 : memref<128x128xf32, #tpu.memory_space<hbm>>)
      tpu.yield
    }) : () -> ()
    return
  }
}

#map = affine_map<(d0, d1) -> (0, 0)>
#map1 = affine_map<(d0, d1) -> (0)>
module attributes {stable_mosaic.version = 14 : i64} {
  func.func @k(%arg0: i32, %arg1: i32, %arg2: memref<1024x128xf32, #tpu.memory_space<hbm>>, %arg3: memref<4096xi32, #tpu.memory_space<hbm>>, %arg4: memref<4096x128xf32, #tpu.memory_space<hbm>>, %arg5: memref<128xi32, #tpu.memory_space<vmem>>, %arg6: memref<128x128xf32, #tpu.memory_space<vmem>>, %arg7: memref<!tpu.dma_semaphore, #tpu.memory_space<semaphore_mem>>) attributes {dimension_semantics = [#tpu.dimension_semantics<core_parallel>, #tpu.dimension_semantics<subcore_parallel>], iteration_bounds = array<i64: 2, 16>, scalar_prefetch = 0 : i64, scratch_operands = 3 : i64, tpu.core_type = #tpu.core_type<sc_vector_subcore>, window_params = [{transform_indices = #map}, {transform_indices = #map1}, {transform_indices = #map}]} {
    %mul3A = arith.constant 2 : i32
    %mul3A_0 = arith.muli %arg1, %mul3A : i32
    %add3A = arith.addi %mul3A_0, %arg0 : i32
    %mul3A_1 = arith.constant 128 : i32
    %mul3A_2 = arith.muli %add3A, %mul3A_1 : i32
    %add3A_3 = arith.constant 0 : i32
    %add3A_4 = arith.addi %mul3A_2, %add3A_3 : i32
    "tpu.region"() ({
      %run_scoped3A = tpu.sem_alloc : memref<!tpu.dma_semaphore, #tpu.memory_space<semaphore_mem>>
      %dma_start3A_9 = tpu.memref_slice %arg3[%add3A_4] : memref<4096xi32, #tpu.memory_space<hbm>> -> memref<128xi32, #tpu.memory_space<hbm>>
      %dma_start3A_10 = tpu.memref_slice %arg3[%add3A_4] : memref<4096xi32, #tpu.memory_space<hbm>> -> memref<128xi32, #tpu.memory_space<hbm>>
      tpu.enqueue_dma source(%dma_start3A_10 : memref<128xi32, #tpu.memory_space<hbm>>) target(%arg5 : memref<128xi32, #tpu.memory_space<vmem>>) target_semaphore(%run_scoped3A : memref<!tpu.dma_semaphore, #tpu.memory_space<semaphore_mem>>)
      %dma_wait3A_11 = tpu.memref_slice %arg3[%add3A_4] : memref<4096xi32, #tpu.memory_space<hbm>> -> memref<128xi32, #tpu.memory_space<hbm>>
      %dma_wait3A_12 = tpu.memref_slice %arg3[%add3A_4] : memref<4096xi32, #tpu.memory_space<hbm>> -> memref<128xi32, #tpu.memory_space<hbm>>
      tpu.wait_dma2 semaphore(%run_scoped3A : memref<!tpu.dma_semaphore, #tpu.memory_space<semaphore_mem>>) src(%dma_wait3A_12 : memref<128xi32, #tpu.memory_space<hbm>>) dst(%arg5 : memref<128xi32, #tpu.memory_space<vmem>>)
      tpu.yield
    }) : () -> ()
    %dma_start3A = arith.constant 0 : i32
    %dma_start3A_5 = arith.constant 0 : i32
    %dma_start3A_6 = tpu.memref_slice %arg2[%dma_start3A, %dma_start3A_5] : memref<1024x128xf32, #tpu.memory_space<hbm>> -> memref<1024x128xf32, #tpu.memory_space<hbm>>
    tpu.enqueue_indirect_dma source(%dma_start3A_6 : memref<1024x128xf32, #tpu.memory_space<hbm>>) target(%arg6 : memref<128x128xf32, #tpu.memory_space<vmem>>) offsets(%arg5 : memref<128xi32, #tpu.memory_space<vmem>>) semaphore(%arg7 : memref<!tpu.dma_semaphore, #tpu.memory_space<semaphore_mem>>)
    %dma_wait3A = arith.constant 0 : i32
    %dma_wait3A_7 = arith.constant 0 : i32
    %dma_wait3A_8 = tpu.memref_slice %arg2[%dma_wait3A, %dma_wait3A_7] : memref<1024x128xf32, #tpu.memory_space<hbm>> -> memref<1024x128xf32, #tpu.memory_space<hbm>>
    tpu.wait_indirect_dma semaphore(%arg7 : memref<!tpu.dma_semaphore, #tpu.memory_space<semaphore_mem>>) src(%dma_wait3A_8 : memref<1024x128xf32, #tpu.memory_space<hbm>>) dst(%arg6 : memref<128x128xf32, #tpu.memory_space<vmem>>)
    "tpu.region"() ({
      %run_scoped3A = tpu.sem_alloc : memref<!tpu.dma_semaphore, #tpu.memory_space<semaphore_mem>>
      %dma_start3A_9 = arith.constant 0 : i32
      %dma_start3A_10 = tpu.memref_slice %arg4[%add3A_4, %dma_start3A_9] : memref<4096x128xf32, #tpu.memory_space<hbm>> -> memref<128x128xf32, #tpu.memory_space<hbm>>
      %dma_start3A_11 = arith.constant 0 : i32
      %dma_start3A_12 = tpu.memref_slice %arg4[%add3A_4, %dma_start3A_11] : memref<4096x128xf32, #tpu.memory_space<hbm>> -> memref<128x128xf32, #tpu.memory_space<hbm>>
      tpu.enqueue_dma source(%arg6 : memref<128x128xf32, #tpu.memory_space<vmem>>) target(%dma_start3A_12 : memref<128x128xf32, #tpu.memory_space<hbm>>) target_semaphore(%run_scoped3A : memref<!tpu.dma_semaphore, #tpu.memory_space<semaphore_mem>>)
      %dma_wait3A_13 = arith.constant 0 : i32
      %dma_wait3A_14 = tpu.memref_slice %arg4[%add3A_4, %dma_wait3A_13] : memref<4096x128xf32, #tpu.memory_space<hbm>> -> memref<128x128xf32, #tpu.memory_space<hbm>>
      %dma_wait3A_15 = arith.constant 0 : i32
      %dma_wait3A_16 = tpu.memref_slice %arg4[%add3A_4, %dma_wait3A_15] : memref<4096x128xf32, #tpu.memory_space<hbm>> -> memref<128x128xf32, #tpu.memory_space<hbm>>
      tpu.wait_dma2 semaphore(%run_scoped3A : memref<!tpu.dma_semaphore, #tpu.memory_space<semaphore_mem>>) src(%arg6 : memref<128x128xf32, #tpu.memory_space<vmem>>) dst(%dma_wait3A_16 : memref<128x128xf32, #tpu.memory_space<hbm>>)
      tpu.yield
    }) : () -> ()
    return
  }
}

module attributes {stable_mosaic.version = 14 : i64} {
  func.func @_enc_body(%arg0: i32, %arg1: memref<2048x128xf32, #tpu.memory_space<vmem>>, %arg2: memref<128x1024xf32, #tpu.memory_space<vmem>>, %arg3: memref<1x1024xf32, #tpu.memory_space<vmem>>, %arg4: memref<1024x512xf32, #tpu.memory_space<vmem>>, %arg5: memref<1x512xf32, #tpu.memory_space<vmem>>, %arg6: memref<512x128xf32, #tpu.memory_space<vmem>>, %arg7: memref<1x128xf32, #tpu.memory_space<vmem>>, %arg8: memref<128x1024xf32, #tpu.memory_space<vmem>>, %arg9: memref<2048x128xf32, #tpu.memory_space<vmem>>, %arg10: memref<1x1x2048xi32, #tpu.memory_space<vmem>>) attributes {dimension_semantics = [#tpu.dimension_semantics<arbitrary>], iteration_bounds = array<i64: 2>, scalar_prefetch = 0 : i64, scratch_operands = 0 : i64, tpu.core_type = #tpu.core_type<tc>, window_params = [{transform_indices = @transform_0, window_bounds = array<i64: 2048, 128>}, {pipeline_mode = #tpu.pipeline_mode<synchronous>, transform_indices = @transform_1, window_bounds = array<i64: 128, 1024>}, {pipeline_mode = #tpu.pipeline_mode<synchronous>, transform_indices = @transform_2, window_bounds = array<i64: 1, 1024>}, {pipeline_mode = #tpu.pipeline_mode<synchronous>, transform_indices = @transform_3, window_bounds = array<i64: 1024, 512>}, {pipeline_mode = #tpu.pipeline_mode<synchronous>, transform_indices = @transform_4, window_bounds = array<i64: 1, 512>}, {pipeline_mode = #tpu.pipeline_mode<synchronous>, transform_indices = @transform_5, window_bounds = array<i64: 512, 128>}, {pipeline_mode = #tpu.pipeline_mode<synchronous>, transform_indices = @transform_6, window_bounds = array<i64: 1, 128>}, {pipeline_mode = #tpu.pipeline_mode<synchronous>, transform_indices = @transform_7, window_bounds = array<i64: 128, 1024>}, {transform_indices = @transform_8, window_bounds = array<i64: 2048, 128>}, {transform_indices = @transform_9, window_bounds = array<i64: 1, 1, 2048>}]} {
    %get3A = arith.constant 0 : index
    %get3A_0 = arith.constant 0 : index
    %get3A_1 = vector.load %arg1[%get3A, %get3A_0] : memref<2048x128xf32, #tpu.memory_space<vmem>>, vector<2048x128xf32>
    %get3A_2 = arith.constant 0 : index
    %get3A_3 = arith.constant 0 : index
    %get3A_4 = vector.load %arg2[%get3A_2, %get3A_3] : memref<128x1024xf32, #tpu.memory_space<vmem>>, vector<128x1024xf32>
    %dot_general3A = arith.constant dense<0.000000e+00> : vector<2048x1024xf32>
    %dot_general3A_5 = tpu.matmul %get3A_1, %get3A_4, %dot_general3A {dimension_numbers = #tpu.dot_dimension_numbers<[1], [0], [0], [1], [0, 0, 1, 1], [], []>, transpose_lhs_hint = false} : vector<2048x128xf32>, vector<128x1024xf32>, vector<2048x1024xf32> -> vector<2048x1024xf32>
    %get3A_6 = arith.constant 0 : index
    %get3A_7 = arith.constant 0 : index
    %get3A_8 = vector.load %arg3[%get3A_6, %get3A_7] : memref<1x1024xf32, #tpu.memory_space<vmem>>, vector<1x1024xf32>
    %add3A = vector.broadcast %get3A_8 : vector<1x1024xf32> to vector<2048x1024xf32>
    %add3A_9 = arith.addf %dot_general3A_5, %add3A : vector<2048x1024xf32>
    %max3A = arith.constant 0.000000e+00 : f32
    %max3A_10 = vector.broadcast %max3A : f32 to vector<2048x1024xf32>
    %max3A_11 = arith.maximumf %add3A_9, %max3A_10 : vector<2048x1024xf32>
    %get3A_12 = arith.constant 0 : index
    %get3A_13 = arith.constant 0 : index
    %get3A_14 = vector.load %arg4[%get3A_12, %get3A_13] : memref<1024x512xf32, #tpu.memory_space<vmem>>, vector<1024x512xf32>
    %dot_general3A_15 = arith.constant dense<0.000000e+00> : vector<2048x512xf32>
    %dot_general3A_16 = tpu.matmul %max3A_11, %get3A_14, %dot_general3A_15 {dimension_numbers = #tpu.dot_dimension_numbers<[1], [0], [0], [1], [0, 0, 1, 1], [], []>, transpose_lhs_hint = false} : vector<2048x1024xf32>, vector<1024x512xf32>, vector<2048x512xf32> -> vector<2048x512xf32>
    %get3A_17 = arith.constant 0 : index
    %get3A_18 = arith.constant 0 : index
    %get3A_19 = vector.load %arg5[%get3A_17, %get3A_18] : memref<1x512xf32, #tpu.memory_space<vmem>>, vector<1x512xf32>
    %add3A_20 = vector.broadcast %get3A_19 : vector<1x512xf32> to vector<2048x512xf32>
    %add3A_21 = arith.addf %dot_general3A_16, %add3A_20 : vector<2048x512xf32>
    %max3A_22 = arith.constant 0.000000e+00 : f32
    %max3A_23 = vector.broadcast %max3A_22 : f32 to vector<2048x512xf32>
    %max3A_24 = arith.maximumf %add3A_21, %max3A_23 : vector<2048x512xf32>
    %get3A_25 = arith.constant 0 : index
    %get3A_26 = arith.constant 0 : index
    %get3A_27 = vector.load %arg6[%get3A_25, %get3A_26] : memref<512x128xf32, #tpu.memory_space<vmem>>, vector<512x128xf32>
    %dot_general3A_28 = arith.constant dense<0.000000e+00> : vector<2048x128xf32>
    %dot_general3A_29 = tpu.matmul %max3A_24, %get3A_27, %dot_general3A_28 {dimension_numbers = #tpu.dot_dimension_numbers<[1], [0], [0], [1], [0, 0, 1, 1], [], []>, transpose_lhs_hint = false} : vector<2048x512xf32>, vector<512x128xf32>, vector<2048x128xf32> -> vector<2048x128xf32>
    %get3A_30 = arith.constant 0 : index
    %get3A_31 = arith.constant 0 : index
    %get3A_32 = vector.load %arg7[%get3A_30, %get3A_31] : memref<1x128xf32, #tpu.memory_space<vmem>>, vector<1x128xf32>
    %add3A_33 = vector.broadcast %get3A_32 : vector<1x128xf32> to vector<2048x128xf32>
    %add3A_34 = arith.addf %dot_general3A_29, %add3A_33 : vector<2048x128xf32>
    %swap3A = arith.constant 0 : index
    %swap3A_35 = arith.constant 0 : index
    %swap3A_36 = vector.load %arg9[%swap3A, %swap3A_35] : memref<2048x128xf32, #tpu.memory_space<vmem>>, vector<2048x128xf32>
    tpu.vector_store %arg9[%swap3A, %swap3A_35], %add3A_34 {strides = array<i32>} : memref<2048x128xf32, #tpu.memory_space<vmem>>, vector<2048x128xf32>,
    %get3A_37 = arith.constant 0 : index
    %get3A_38 = arith.constant 0 : index
    %get3A_39 = vector.load %arg8[%get3A_37, %get3A_38] : memref<128x1024xf32, #tpu.memory_space<vmem>>, vector<128x1024xf32>
    %mul3A = arith.mulf %get3A_39, %get3A_39 : vector<128x1024xf32>
    %reduce_sum3A = arith.constant dense<0.000000e+00> : vector<1024xf32>
    %reduce_sum3A_40 = vector.multi_reduction <add>, %mul3A, %reduce_sum3A [0] : vector<128x1024xf32> to vector<1024xf32>
    %broadcast_in_dim3A = vector.shape_cast %reduce_sum3A_40 : vector<1024xf32> to vector<1x1024xf32>
    %dot_general3A_41 = arith.constant dense<0.000000e+00> : vector<2048x1024xf32>
    %dot_general3A_42 = tpu.matmul %add3A_34, %get3A_39, %dot_general3A_41 {dimension_numbers = #tpu.dot_dimension_numbers<[1], [0], [0], [1], [0, 0, 1, 1], [], []>, transpose_lhs_hint = false} : vector<2048x128xf32>, vector<128x1024xf32>, vector<2048x1024xf32> -> vector<2048x1024xf32>
    %mul3A_43 = arith.constant 2.000000e+00 : f32
    %mul3A_44 = vector.broadcast %mul3A_43 : f32 to vector<2048x1024xf32>
    %mul3A_45 = arith.mulf %mul3A_44, %dot_general3A_42 : vector<2048x1024xf32>
    %sub3A = vector.broadcast %broadcast_in_dim3A : vector<1x1024xf32> to vector<2048x1024xf32>
    %sub3A_46 = arith.subf %sub3A, %mul3A_45 : vector<2048x1024xf32>
    %argmin3A = tpu.reduce_index %sub3A_46 {axis = 1 : i32, kind = #tpu.reduction_kind<arg_min>} : vector<2048x1024xf32> -> vector<2048xi32>
    %reshape3A = vector.shape_cast %argmin3A : vector<2048xi32> to vector<1x1x2048xi32>
    %swap3A_47 = arith.constant 0 : index
    %swap3A_48 = arith.constant 0 : index
    %swap3A_49 = arith.constant 0 : index
    %swap3A_50 = vector.load %arg10[%swap3A_47, %swap3A_48, %swap3A_49] : memref<1x1x2048xi32, #tpu.memory_space<vmem>>, vector<1x1x2048xi32>
    tpu.vector_store %arg10[%swap3A_47, %swap3A_48, %swap3A_49], %reshape3A {strides = array<i32>} : memref<1x1x2048xi32, #tpu.memory_space<vmem>>, vector<1x1x2048xi32>,
    return
  }
  func.func @transform_0(%arg0: i32) -> (i32, i32) {
    %c0_i32 = arith.constant 0 : i32
    %c0_i32_0 = arith.constant 0 : i32
    return %arg0, %c0_i32 : i32, i32
  }
  func.func @transform_1(%arg0: i32) -> (i32, i32) {
    %c0_i32 = arith.constant 0 : i32
    %c0_i32_0 = arith.constant 0 : i32
    %c0_i32_1 = arith.constant 0 : i32
    return %c0_i32, %c0_i32_0 : i32, i32
  }
  func.func @transform_2(%arg0: i32) -> (i32, i32) {
    %c0_i32 = arith.constant 0 : i32
    %c0_i32_0 = arith.constant 0 : i32
    %c0_i32_1 = arith.constant 0 : i32
    return %c0_i32, %c0_i32_0 : i32, i32
  }
  func.func @transform_3(%arg0: i32) -> (i32, i32) {
    %c0_i32 = arith.constant 0 : i32
    %c0_i32_0 = arith.constant 0 : i32
    %c0_i32_1 = arith.constant 0 : i32
    return %c0_i32, %c0_i32_0 : i32, i32
  }
  func.func @transform_4(%arg0: i32) -> (i32, i32) {
    %c0_i32 = arith.constant 0 : i32
    %c0_i32_0 = arith.constant 0 : i32
    %c0_i32_1 = arith.constant 0 : i32
    return %c0_i32, %c0_i32_0 : i32, i32
  }
  func.func @transform_5(%arg0: i32) -> (i32, i32) {
    %c0_i32 = arith.constant 0 : i32
    %c0_i32_0 = arith.constant 0 : i32
    %c0_i32_1 = arith.constant 0 : i32
    return %c0_i32, %c0_i32_0 : i32, i32
  }
  func.func @transform_6(%arg0: i32) -> (i32, i32) {
    %c0_i32 = arith.constant 0 : i32
    %c0_i32_0 = arith.constant 0 : i32
    %c0_i32_1 = arith.constant 0 : i32
    return %c0_i32, %c0_i32_0 : i32, i32
  }
  func.func @transform_7(%arg0: i32) -> (i32, i32) {
    %c0_i32 = arith.constant 0 : i32
    %c0_i32_0 = arith.constant 0 : i32
    %c0_i32_1 = arith.constant 0 : i32
    return %c0_i32, %c0_i32_0 : i32, i32
  }
  func.func @transform_8(%arg0: i32) -> (i32, i32) {
    %c0_i32 = arith.constant 0 : i32
    %c0_i32_0 = arith.constant 0 : i32
    return %arg0, %c0_i32 : i32, i32
  }
  func.func @transform_9(%arg0: i32) -> (i32, i32, i32) {
    %c0_i32 = arith.constant 0 : i32
    %c0_i32_0 = arith.constant 0 : i32
    %c0_i32_1 = arith.constant 0 : i32
    return %arg0, %c0_i32, %c0_i32_0 : i32, i32, i32
  }
}

module attributes {stable_mosaic.version = 14 : i64} {
  func.func @_dec_body(%arg0: i32, %arg1: memref<2048x128xf32, #tpu.memory_space<vmem>>, %arg2: memref<128x512xf32, #tpu.memory_space<vmem>>, %arg3: memref<1x512xf32, #tpu.memory_space<vmem>>, %arg4: memref<512x1024xf32, #tpu.memory_space<vmem>>, %arg5: memref<1x1024xf32, #tpu.memory_space<vmem>>, %arg6: memref<1024x128xf32, #tpu.memory_space<vmem>>, %arg7: memref<1x128xf32, #tpu.memory_space<vmem>>, %arg8: memref<2048x128xf32, #tpu.memory_space<vmem>>) attributes {dimension_semantics = [#tpu.dimension_semantics<arbitrary>], iteration_bounds = array<i64: 2>, scalar_prefetch = 0 : i64, scratch_operands = 0 : i64, tpu.core_type = #tpu.core_type<tc>, window_params = [{transform_indices = @transform_0, window_bounds = array<i64: 2048, 128>}, {pipeline_mode = #tpu.pipeline_mode<synchronous>, transform_indices = @transform_1, window_bounds = array<i64: 128, 512>}, {pipeline_mode = #tpu.pipeline_mode<synchronous>, transform_indices = @transform_2, window_bounds = array<i64: 1, 512>}, {pipeline_mode = #tpu.pipeline_mode<synchronous>, transform_indices = @transform_3, window_bounds = array<i64: 512, 1024>}, {pipeline_mode = #tpu.pipeline_mode<synchronous>, transform_indices = @transform_4, window_bounds = array<i64: 1, 1024>}, {pipeline_mode = #tpu.pipeline_mode<synchronous>, transform_indices = @transform_5, window_bounds = array<i64: 1024, 128>}, {pipeline_mode = #tpu.pipeline_mode<synchronous>, transform_indices = @transform_6, window_bounds = array<i64: 1, 128>}, {transform_indices = @transform_7, window_bounds = array<i64: 2048, 128>}]} {
    %get3A = arith.constant 0 : index
    %get3A_0 = arith.constant 0 : index
    %get3A_1 = vector.load %arg1[%get3A, %get3A_0] : memref<2048x128xf32, #tpu.memory_space<vmem>>, vector<2048x128xf32>
    %get3A_2 = arith.constant 0 : index
    %get3A_3 = arith.constant 0 : index
    %get3A_4 = vector.load %arg2[%get3A_2, %get3A_3] : memref<128x512xf32, #tpu.memory_space<vmem>>, vector<128x512xf32>
    %dot_general3A = arith.constant dense<0.000000e+00> : vector<2048x512xf32>
    %dot_general3A_5 = tpu.matmul %get3A_1, %get3A_4, %dot_general3A {dimension_numbers = #tpu.dot_dimension_numbers<[1], [0], [0], [1], [0, 0, 1, 1], [], []>, transpose_lhs_hint = false} : vector<2048x128xf32>, vector<128x512xf32>, vector<2048x512xf32> -> vector<2048x512xf32>
    %get3A_6 = arith.constant 0 : index
    %get3A_7 = arith.constant 0 : index
    %get3A_8 = vector.load %arg3[%get3A_6, %get3A_7] : memref<1x512xf32, #tpu.memory_space<vmem>>, vector<1x512xf32>
    %add3A = vector.broadcast %get3A_8 : vector<1x512xf32> to vector<2048x512xf32>
    %add3A_9 = arith.addf %dot_general3A_5, %add3A : vector<2048x512xf32>
    %max3A = arith.constant 0.000000e+00 : f32
    %max3A_10 = vector.broadcast %max3A : f32 to vector<2048x512xf32>
    %max3A_11 = arith.maximumf %add3A_9, %max3A_10 : vector<2048x512xf32>
    %get3A_12 = arith.constant 0 : index
    %get3A_13 = arith.constant 0 : index
    %get3A_14 = vector.load %arg4[%get3A_12, %get3A_13] : memref<512x1024xf32, #tpu.memory_space<vmem>>, vector<512x1024xf32>
    %dot_general3A_15 = arith.constant dense<0.000000e+00> : vector<2048x1024xf32>
    %dot_general3A_16 = tpu.matmul %max3A_11, %get3A_14, %dot_general3A_15 {dimension_numbers = #tpu.dot_dimension_numbers<[1], [0], [0], [1], [0, 0, 1, 1], [], []>, transpose_lhs_hint = false} : vector<2048x512xf32>, vector<512x1024xf32>, vector<2048x1024xf32> -> vector<2048x1024xf32>
    %get3A_17 = arith.constant 0 : index
    %get3A_18 = arith.constant 0 : index
    %get3A_19 = vector.load %arg5[%get3A_17, %get3A_18] : memref<1x1024xf32, #tpu.memory_space<vmem>>, vector<1x1024xf32>
    %add3A_20 = vector.broadcast %get3A_19 : vector<1x1024xf32> to vector<2048x1024xf32>
    %add3A_21 = arith.addf %dot_general3A_16, %add3A_20 : vector<2048x1024xf32>
    %max3A_22 = arith.constant 0.000000e+00 : f32
    %max3A_23 = vector.broadcast %max3A_22 : f32 to vector<2048x1024xf32>
    %max3A_24 = arith.maximumf %add3A_21, %max3A_23 : vector<2048x1024xf32>
    %get3A_25 = arith.constant 0 : index
    %get3A_26 = arith.constant 0 : index
    %get3A_27 = vector.load %arg6[%get3A_25, %get3A_26] : memref<1024x128xf32, #tpu.memory_space<vmem>>, vector<1024x128xf32>
    %dot_general3A_28 = arith.constant dense<0.000000e+00> : vector<2048x128xf32>
    %dot_general3A_29 = tpu.matmul %max3A_24, %get3A_27, %dot_general3A_28 {dimension_numbers = #tpu.dot_dimension_numbers<[1], [0], [0], [1], [0, 0, 1, 1], [], []>, transpose_lhs_hint = false} : vector<2048x1024xf32>, vector<1024x128xf32>, vector<2048x128xf32> -> vector<2048x128xf32>
    %get3A_30 = arith.constant 0 : index
    %get3A_31 = arith.constant 0 : index
    %get3A_32 = vector.load %arg7[%get3A_30, %get3A_31] : memref<1x128xf32, #tpu.memory_space<vmem>>, vector<1x128xf32>
    %add3A_33 = vector.broadcast %get3A_32 : vector<1x128xf32> to vector<2048x128xf32>
    %add3A_34 = arith.addf %dot_general3A_29, %add3A_33 : vector<2048x128xf32>
    %swap3A = arith.constant 0 : index
    %swap3A_35 = arith.constant 0 : index
    %swap3A_36 = vector.load %arg8[%swap3A, %swap3A_35] : memref<2048x128xf32, #tpu.memory_space<vmem>>, vector<2048x128xf32>
    tpu.vector_store %arg8[%swap3A, %swap3A_35], %add3A_34 {strides = array<i32>} : memref<2048x128xf32, #tpu.memory_space<vmem>>, vector<2048x128xf32>,
    return
  }
  func.func @transform_0(%arg0: i32) -> (i32, i32) {
    %c0_i32 = arith.constant 0 : i32
    %c0_i32_0 = arith.constant 0 : i32
    return %arg0, %c0_i32 : i32, i32
  }
  func.func @transform_1(%arg0: i32) -> (i32, i32) {
    %c0_i32 = arith.constant 0 : i32
    %c0_i32_0 = arith.constant 0 : i32
    %c0_i32_1 = arith.constant 0 : i32
    return %c0_i32, %c0_i32_0 : i32, i32
  }
  func.func @transform_2(%arg0: i32) -> (i32, i32) {
    %c0_i32 = arith.constant 0 : i32
    %c0_i32_0 = arith.constant 0 : i32
    %c0_i32_1 = arith.constant 0 : i32
    return %c0_i32, %c0_i32_0 : i32, i32
  }
  func.func @transform_3(%arg0: i32) -> (i32, i32) {
    %c0_i32 = arith.constant 0 : i32
    %c0_i32_0 = arith.constant 0 : i32
    %c0_i32_1 = arith.constant 0 : i32
    return %c0_i32, %c0_i32_0 : i32, i32
  }
  func.func @transform_4(%arg0: i32) -> (i32, i32) {
    %c0_i32 = arith.constant 0 : i32
    %c0_i32_0 = arith.constant 0 : i32
    %c0_i32_1 = arith.constant 0 : i32
    return %c0_i32, %c0_i32_0 : i32, i32
  }
  func.func @transform_5(%arg0: i32) -> (i32, i32) {
    %c0_i32 = arith.constant 0 : i32
    %c0_i32_0 = arith.constant 0 : i32
    %c0_i32_1 = arith.constant 0 : i32
    return %c0_i32, %c0_i32_0 : i32, i32
  }
  func.func @transform_6(%arg0: i32) -> (i32, i32) {
    %c0_i32 = arith.constant 0 : i32
    %c0_i32_0 = arith.constant 0 : i32
    %c0_i32_1 = arith.constant 0 : i32
    return %c0_i32, %c0_i32_0 : i32, i32
  }
  func.func @transform_7(%arg0: i32) -> (i32, i32) {
    %c0_i32 = arith.constant 0 : i32
    %c0_i32_0 = arith.constant 0 : i32
    return %arg0, %c0_i32 : i32, i32
  }
}

</mosaic_0001>

<sc_bundles>
// kernel: _run.11.cloned.1.call-start
scs
__scs_entry_jumppad:
0x0: {  	(pc) =	sbr.rel $0x88, $3  }
0x1: {  	(tag) =	ssettag $0x0;
	lr =	simm.s32 $0x1  }
0x2: {  	[smem:$0x3F93] =	sst lr;
	_ =	strace $0xD0000000  }
0x3: {  	_ = 	snop  }
0x4: {  	_ = 	snop  }
0x5: {  	_ = 	snop  }
0x6: {  	_ = 	snop  }
0x7: {  	_ = 	snop  }
__scs_overlays_trampoline_lowered:
0x8: {  	[smem:$0x3FA2] =	sst s0  }
0x9: {  	[smem:$0x3FA3] =	sst s1  }
0xa: {  	[smem:$0x3FA4] =	sst s2  }
0xb: {  	[smem:$0x3FA5] =	sst s3  }
0xc: {  	[smem:$0x3FA6] =	sst s4  }
0xd: {  	[smem:$0x3FA7] =	sst s5  }
0xe: {  	[smem:$0x3FA8] =	sst s6  }
0xf: {  	[smem:$0x3FA9] =	sst s7  }
0x10: {  	[smem:$0x3FAA] =	sst s8  }
0x11: {  	[smem:$0x3FAB] =	sst s9;
	s0 =	simm.s32 @!p0 $0x0  }
0x12: {  	s1 =	sld [smem:$0x3F91];
	s0 =	simm.s32 @p0 $0x1  }
0x13: {  	[smem:$0x3FAC] =	sst s0;
	s0 =	simm.s32 @!p1 $0x0  }
0x14: {  	s2 =	sld [smem:$0x3F90];
	s0 =	simm.s32 @p1 $0x1  }
0x15: {  	[smem:$0x3FAD] =	sst s0;
	s0 =	simm.s32 @!p2 $0x0  }
0x16: {  	s3 =	sld [smem:$0x3FDB];
	s0 =	simm.s32 @p2 $0x1  }
0x17: {  	s4 =	simm.s32 $0x1BF5;
	[smem:$0x3FAF] =	sst s0  }
0x18: {  	s0 =	sld [smem:$0x3F92];
	_ =	swait.ge [sflag:s4], $0x0  }
0x19: {  	s7 =	sld [smem:$0x3F93]  }
0x1a: {  	s8 =	sadd.s32 $0xFFFFE003, lr  }
0x1b: {  	s9 =	sadd.s32 $0xFFFFFEF7, lr;
	s5 =	simm.s32 $0xFFFFFFFF;
	p2 =	slt.u32 s8, $0xFFFFF086  }
0x1c: {  	p1 =	slt.u32 s9, $0xF7A;
	s5 =	simm.s32 @!p2 $0x0  }
0x1d: {  	s5 =	simm.s32 @p1 $0x1;
	p0 =	seq.s32 s7, s2  }
0x1e: {  	s7 =	smul.u32 @!p0 $0xF7A, s2;
	p2 =	seq.s32 @!p0 s5, $0x0  }
0x1f: {  	s9 =	smul.u32 $0xF7A, s1;
	s8 =	simm.s32 @!p0 $0x1BF5;
	p2 =	por !p2, p0  }
0x20: {  	[sflag:s8] =	ssyncset.s32 @!p0 $0xFFFFF086;
	s6 =	sadd.s32 @!p0 s3, s7;
	s7 =	simm.s32 @!p0 $0x108  }
0x21: {  	s3 =	sadd.s32 s3, s9;
	s6 =	sadd.s32 @!p0 $0x88, s6;
	s7 =	simm.s32 @p2 $0x1082  }
0x22: {  	[simem:s7], [sflag:s8] =	dma.local @!p0 [hbm:s6], $0xF7A  }
0x23: {  	s9 =	sor.u32 $0xD0000000, s2;
	s6 =	simm.s32 $0x108;
	_ =	swait.ge @!p0 [sflag:s8], $0x0  }
0x24: {  	s3 =	sadd.s32 $0x88, s3;
	s6 =	simm.s32 @!p1 $0x1082;
	[sflag:s4] =	ssyncset.s32 $0xFFFFF086  }
0x25: {  	[simem:s6], [sflag:s4] =	dma.local [hbm:s3], $0xF7A  }
0x26: {  	[smem:$0x3F93] =	sst s1;
	(tag) =	ssettag s2;
	_ =	strace s9  }
0x27: {  	s1 =	sld [smem:$0x3FA3]  }
0x28: {  	s2 =	sld [smem:$0x3FA4]  }
0x29: {  	s4 =	sld [smem:$0x3FA6]  }
0x2a: {  	p0 =	seq.s32 s5, $0x0;
	s5 =	sld [smem:$0x3FA7]  }
0x2b: {  	s6 =	sld [smem:$0x3FA8]  }
0x2c: {  	s7 =	sld [smem:$0x3FA9]  }
0x2d: {  	s3 =	simm.s32 $0x108;
	s8 =	sld [smem:$0x3FAA]  }
0x2e: {  	s3 =	simm.s32 @!p0 $0x1082;
	s9 =	sld [smem:$0x3FAB]  }
0x2f: {  	lr =	sadd.s32 s0, s3;
	s0 =	sld [smem:$0x3FA2]  }
0x30: {  	s3 =	sld [smem:$0x3FA5]  }
0x31: {  	[smem:$0x3FAE] =	sst s10  }
0x32: {  	s10 =	sld [smem:$0x3FAC];
	_ =	sdelay $0x3  }
0x33: {  	p0 =	seq.s32 s10, $0x1;
	s10 =	sld [smem:$0x3FAE];
	_ =	sdelay $0x3  }
0x34: {  	[smem:$0x3FAE] =	sst s10  }
0x35: {  	s10 =	sld [smem:$0x3FAD];
	_ =	sdelay $0x3  }
0x36: {  	p1 =	seq.s32 s10, $0x1;
	s10 =	sld [smem:$0x3FAE];
	_ =	sdelay $0x3  }
0x37: {  	[smem:$0x3FAE] =	sst s10  }
0x38: {  	s10 =	sld [smem:$0x3FAF]  }
0x39: {  	_ = 	snop;
	(pc) =	sbr.ind lr, $3  }
0x3a: {  	_ = 	snop  }
0x3b: {  	_ = 	snop  }
0x3c: {  	p2 =	seq.s32 s10, $0x1;
	s10 =	sld [smem:$0x3FAE]  }
0x3d: {  	_ =	shalt  }
0x3e: {  	_ =	shalt  }
0x3f: {  	_ =	shalt  }
0x40: {  	_ =	shalt  }
0x41: {  	_ =	shalt  }
0x42: {  	_ =	shalt  }
0x43: {  	_ =	shalt  }
0x44: {  	_ =	shalt  }
0x45: {  	_ =	shalt  }
0x46: {  	_ =	shalt  }
0x47: {  	_ =	shalt  }
0x48: {  	_ =	shalt  }
0x49: {  	_ =	shalt  }
0x4a: {  	_ =	shalt  }
0x4b: {  	_ =	shalt  }
0x4c: {  	_ =	shalt  }
0x4d: {  	_ =	shalt  }
0x4e: {  	_ =	shalt  }
0x4f: {  	_ =	shalt  }
0x50: {  	_ =	shalt  }
0x51: {  	_ =	shalt  }
0x52: {  	_ =	shalt  }
0x53: {  	_ =	shalt  }
0x54: {  	_ =	shalt  }
0x55: {  	_ =	shalt  }
0x56: {  	_ =	shalt  }
0x57: {  	_ =	shalt  }
0x58: {  	_ =	shalt  }
0x59: {  	_ =	shalt  }
0x5a: {  	_ =	shalt  }
0x5b: {  	_ =	shalt  }
0x5c: {  	_ =	shalt  }
0x5d: {  	_ =	shalt  }
0x5e: {  	_ =	shalt  }
0x5f: {  	_ =	shalt  }
0x60: {  	_ =	shalt  }
0x61: {  	_ =	shalt  }
0x62: {  	_ =	shalt  }
0x63: {  	_ =	shalt  }
0x64: {  	_ =	shalt  }
0x65: {  	_ =	shalt  }
0x66: {  	_ =	shalt  }
0x67: {  	_ =	shalt  }
0x68: {  	_ =	shalt  }
0x69: {  	_ =	shalt  }
0x6a: {  	_ =	shalt  }
0x6b: {  	_ =	shalt  }
0x6c: {  	_ =	shalt  }
0x6d: {  	_ =	shalt  }
0x6e: {  	_ =	shalt  }
0x6f: {  	_ =	shalt  }
0x70: {  	_ =	shalt  }
0x71: {  	_ =	shalt  }
0x72: {  	_ =	shalt  }
0x73: {  	_ =	shalt  }
0x74: {  	_ =	shalt  }
0x75: {  	_ =	shalt  }
0x76: {  	_ =	shalt  }
0x77: {  	_ =	shalt  }
0x78: {  	_ =	shalt  }
0x79: {  	_ =	shalt  }
0x7a: {  	_ =	shalt  }
0x7b: {  	_ =	shalt  }
0x7c: {  	_ =	shalt  }
0x7d: {  	_ =	shalt  }
0x7e: {  	_ =	shalt  }
0x7f: {  	_ =	shalt  }
0x80: {  	_ =	shalt  }
0x81: {  	_ =	shalt  }
0x82: {  	_ =	shalt  }
0x83: {  	_ =	shalt  }
0x84: {  	_ =	shalt  }
0x85: {  	_ =	shalt  }
0x86: {  	_ =	shalt  }
0x87: {  	_ =	shalt  }
.Lfunc_end0:
.L_simem_size_0:
called_computation.1_lowered:
.L_overlay_start_0:
0x88: {  	s2 =	sld [smem:$0x3FD9]  }
0x89: {  	s3 =	sld [smem:$0x3FFE];
	_ =	sdelay $0x1  }
0x8a: {  	s1 =	srdreg.scid  }
0x8b: {  	s0 =	sand.u32 $0x1, s1  }
0x8c: {  	s14 =	sshll.u32 s0, $0xA;
	s2 =	sadd.s32 s3, s2  }
0x8d: {  	s2 =	sadd.s32 s2, s14  }
0x8e: {  	[smem:$0x3FBA] =	sst s2  }
0x8f: {  	_ = 	snop  }
0x90: {  	s2 =	sld [smem:$0x3FD0];
	_ =	sdelay $0x2  }
0x91: {  	s15 =	simm.s32 $0xB;
	s4 =	simm.s32 $0x10  }
0x92: {  	[smem:s4], [sflag:s15] =	dma.local [hbm:s2], $0x1  }
0x93: {  	_ =	swait.eq [sflag:s15], $0x1  }
0x94: {  	[sflag:s15] =	ssyncset.done $0x0  }
0x95: {  	s16 =	sld [smem:$0x10];
	[sflag:s15] =	ssyncadd.s32 $0xFFFFFFFF  }
0x96: {  	s17 =	sld [smem:$0x11];
	(tm) =	ssettm $0x1  }
0x97: {  	s18 =	sld [smem:$0x3FFB];
	_ =	sdelay $0x3  }
0x98: {  	_ =	strace s18  }
0x99: {  	s4 =	sld [smem:$0x3FFC];
	_ =	sdelay $0x3  }
0x9a: {  	_ =	strace s4  }
0x9b: {  	s4 =	sld [smem:$0x3FFD];
	_ =	sdelay $0x3  }
0x9c: {  	_ =	strace s4  }
0x9d: {  	_ =	strace $0x8FFFFFFF  }
0x9e: {  	s19 =	sld [smem:$0x3FDB];
	_ =	sdelay $0x1  }
0x9f: {  	s5 =	simm.s32 $_scs_section_size  }
0xa0: {  	s6 =	simm.s32 $_size__tile_overlayer_lowered;
	s7 =	simm.s32 $_tile_overlayer_lowered  }
0xa1: {  	s22 =	simm.s32 $0x1BFF;
	s21 =	sshll.u32 s7, $0x1;
	s4 =	sadd.s32 s5, s19  }
0xa2: {  	s8 =	simm.s32 $0x0;
	s20 =	sshll.u32 s6, $0x1;
	s6 =	sadd.s32 s21, s4  }
0xa3: {  	[timem:s8], [sflag:s22] =	dma.local [hbm:s6], s20  }
0xa4: {  	_ =	swait.ge [sflag:s22], s20  }
0xa5: {  	s5 =	ssub.s32 $0x0, s20;
	[sflag:s22] =	ssyncset.done $0x0  }
0xa6: {  	[sflag:s22] =	ssyncadd.s32 s5;
	_ =	sdelay $0x1  }
0xa7: {  	s23 =	simm.s32 $0x1B8B  }
0xa8: {  	_ =	swait.ge [sflag:s23], $0x1  }
0xa9: {  	[sflag:s23] =	ssyncset.done $0x0  }
0xaa: {  	s25 =	simm.s32 $0x1B8E;
	s24 =	sld [smem:$0x3FFE];
	[sflag:s23] =	ssyncadd.s32 $0xFFFFFFFF  }
0xab: {  	s26 =	simm.s32 $execute0_lowered;
	[smem:$0x3FD2] =	sst s25  }
0xac: {  	s6 =	sshll.u32 s26, $0x1;
	_ =	strace $0x80000046;
	[dreg:$0x1] =	wrdreg $0xFFFFFFFF  }
0xad: {  	s28 =	simm.s32 $_size_execute0_lowered;
	s4 =	sadd.s32 s4, s6;
	[dreg:$0x0] =	wrdreg $0x0  }
0xae: {  	s6 =	sshll.u32 s28, $0x1;
	[dreg:$0x2] =	wrdreg s4  }
0xaf: {  	[dreg:$0x3] =	wrdreg s6  }
0xb0: {  	[dreg:$0x4] =	wrdreg $0xC0  }
0xb1: {  	_ =	task [dreg:s8], $0x5FFFF  }
0xb2: {  	[dreg:$0x1] =	wrdreg $0xFFFFFFFF  }
0xb3: {  	[dreg:$0x0] =	wrdreg $0x60  }
0xb4: {  	[dreg:$0x2] =	wrdreg s17  }
0xb5: {  	[dreg:$0x3] =	wrdreg s16  }
0xb6: {  	[dreg:$0x4] =	wrdreg s24  }
0xb7: {  	[dreg:$0x5] =	wrdreg $0xA  }
0xb8: {  	_ =	task.clear_ibuf [dreg:s8], $0x6FFFF;
	_ =	strace $0x90000046  }
0xb9: {  	s29 =	simm.s32 $0xA;
	_ =	strace $0x80000048  }
0xba: {  	_ =	swait.ge [sflag:s29], $0x1  }
0xbb: {  	[sflag:s29] =	ssyncadd.s32 $0xFFFFFFFF  }
0xbc: {  	_ =	strace $0x90000048  }
0xbd: {  	_ =	sfence  }
0xbe: {  	s30 =	sld [smem:$0x0];
	_ =	sdelay $0x2  }
0xbf: {  	s31 =	sshll.u32 s1, $0xD;
	s1 =	sshrl.u32 s1, $0x2  }
0xc0: {  	s3 =	sand.u32 $0x4000, s31;
	s1 =	sadd.s32 s1, s30  }
0xc1: {  	s0 =	sor.u32 s3, s0;
	s1 =	sshll.u32 s1, $0x11  }
0xc2: {  	s0 =	sor.u32 s1, s0  }
0xc3: {  	s0 =	sadd.s32 $0x8F2B, s0  }
0xc4: {  	[sflag:s0] =	ssyncadd.remote.s32 $0x1  }
0xc5: {  	_ =	sfence.sel $0xFFFF  }
0xc6: {  	[dreg:$0x0] =	wrdreg $0xFFFFFFFF;
	(pc) =	sbr.abs _section_cstart, $3  }
0xc7: {  	[dreg:$0x1] =	wrdreg $0xFFFFFFFF  }
0xc8: {  	_ =	task.clear_ibuf [dreg:s8], $0x2FFFF;
	_ =	strace $0x9FFFFFFF  }
0xc9: {  	(tm) =	ssettm $0x7FFFFFFF  }
tec
execute0_lowered:
.L_overlay_start_1:
0x0: {  	(tag) =	ssettag $0x1  }
0x1: {  	s1 =	rddreg [dreg:$0x0];
	s2 =	srdreg.scid  }
0x2: {  	s4 =	rddreg [dreg:$0x1];
	s0 =	stileid.u32  }
0x3: {  	s8 =	rddreg [dreg:$0x2];
	s3 =	simm.s32 $0x0;
	s6 =	sand.u32 $0x1, s2  }
0x4: {  	s5 =	sshll.u32 s0, $0x8;
	s2 =	rddreg [dreg:$0x3];
	s7 =	sshll.u32 s6, $0x7  }
0x5: {  	[smem:$0x7FF] =	sst s3;
	s9 =	sor.u32 s7, s5  }
0x6: {  	_ =	strace $0x80000047;
	s10 =	ssub.s32 $0x2, s6;
	s5 =	sshrl.u32 s9, $0x3  }
0x7: {  	s6 =	simm.s32 $0x80;
	s5 =	sadd.s32 s4, s5;
	s4 =	simm.s32 $0x2  }
0x8: {  	[tilespmem:s3], [sflag:$0x2] =	stream.linear.gather [hbm4b:s5+s3], $0x80, $0x38;
	[tilespmem:$0x4080] =	vst v63  }
0x9: {  	s7 =	simm.s32 $0x1;
	s11 =	sshrl.u32 s10, $0x1;
	_ =	swait.ge [sflag:s4], $0x80  }
0xa: {  	s9 =	sshll.u32 s9, $0x4;
	s31 =	ssub.s32 s10, s11;
	[sflag:s4] =	ssyncset.done $0x0  }
0xb: {  	s8 =	sadd.s32 s9, s8;
	s9 =	smax.u32 s31, $0x1;
	[sflag:s4] =	ssyncadd.s32 $0xFFFFFF80  }
0xc: {  	[tilespmem:s6], [sflag:$0x1] =	stream.indirect.gather [hbm4b:s1+s6], $0x80, s3, s6, $0xb8;
	[tilespmem:$0x4080] =	vst v63  }
0xd: {  	p0 =	sne.s32 s9, $0x1;
	_ =	swait.ge [sflag:s7], $0x4000  }
.Ltmp0:
0xe: {  	[sflag:s7] =	ssyncset.done $0x0;
	(pc) =	sbr.rel @!p0 .LBB2_2-.Ltmp0, $4  }
0xf: {  	s8 =	sadd.s32 $0x3400, s8;
	[sflag:s7] =	ssyncadd.s32 $0xFFFFC000  }
0x10: {  	[hbm4b:s8+s3] =	stream.linear.scatter [tilespmem:s6], [sflag:$0x2], $0x4000, $0x38;
	[tilespmem:$0x4080] =	vst v63  }
0x11: {  	_ =	swait.ge [sflag:s4], $0x4000  }
0x12: {  	s9 =	sadd.s32 $0xFFFFFFFF, s9;
	[sflag:s4] =	ssyncset.done $0x0  }
.LBB2_1:
0x13: {  	p0 =	sne.s32 s9, $0x1;
	s9 =	sadd.s32 $0xFFFFFFFF, s9;
	[sflag:s4] =	ssyncadd.s32 $0xFFFFC000  }
0x14: {  	[tilespmem:s3], [sflag:$0x2] =	stream.linear.gather [hbm4b:s5+s3], $0x80, $0x38;
	[tilespmem:$0x4080] =	vst v63  }
0x15: {  	_ =	swait.ge [sflag:s4], $0x80  }
0x16: {  	[sflag:s4] =	ssyncset.done $0x0  }
0x17: {  	[sflag:s4] =	ssyncadd.s32 $0xFFFFFF80  }
0x18: {  	[tilespmem:s6], [sflag:$0x1] =	stream.indirect.gather [hbm4b:s1+s6], $0x80, s3, s6, $0xb8;
	[tilespmem:$0x4080] =	vst v63  }
0x19: {  	_ =	swait.ge [sflag:s7], $0x4000  }
.Ltmp1:
0x1a: {  	[sflag:s7] =	ssyncset.done $0x0;
	(pc) =	sbr.rel @p0 .LBB2_1-.Ltmp1, $4  }
0x1b: {  	[sflag:s7] =	ssyncadd.s32 $0xFFFFC000  }
0x1c: {  	[hbm4b:s8+s3] =	stream.linear.scatter [tilespmem:s6], [sflag:$0x2], $0x4000, $0x38;
	[tilespmem:$0x4080] =	vst v63  }
0x1d: {  	_ =	swait.ge [sflag:s4], $0x4000  }
0x1e: {  	[sflag:s4] =	ssyncset.done $0x0  }
.LBB2_2:
0x1f: {  	[sflag:s4] =	ssyncadd.s32 $0xFFFFC000  }
0x20: {  	_ =	sfence.sel $0x180000  }
0x21: {  	[bflag:$0x0] =	sbarrier.arrive $0xFFFF  }
0x22: {  	p0 =	sne.s32 s0, $0x0;
	_ =	strace $0x90000047  }
0x23: {  	s0 =	sadd.s32 @!p0 $0x100000, s2;
	[bflag:$0x2] =	sbarrier.arrive $0xFFFF  }
0x24: {  	[sflag:s0] =	ssyncadd.tile.s32 @!p0 $0x1;
	_ =	shalt  }
.Lfunc_end2:
_tile_overlayer_lowered:
.L_overlay_start_2:
0x25: {  	(tag) =	ssettag $0x2  }
0x26: {  	s0 =	rddreg [dreg:$0x0];
	s2 =	stileid.u32  }
0x27: {  	s1 =	rddreg [dreg:$0x1];
	p0 =	sne.s32 s2, $0x0  }
0x28: {  	s3 =	rddreg [dreg:$0x2];
	[bflag:$0x3] =	sbarrier.arrive $0xFFFF;
	s2 =	simm.s32 @!p0 $0x1C02  }
0x29: {  	[timem:s3], [sflag:s2] =	dma.local @!p0 [hbm:s0], s1  }
0x2a: {  	s0 =	simm.s32 @!p0 $0x2  }
0x2b: {  	_ =	swait.ge @!p0 [sflag:s0], s1  }
0x2c: {  	s1 =	ssub.s32 @!p0 $0x0, s1;
	[sflag:s0] =	ssyncset.done @!p0 $0x0  }
0x2d: {  	[sflag:s0] =	ssyncadd.s32 @!p0 s1  }
0x2e: {  	[bflag:$0x3] =	sbarrier.arrive $0xFFFF  }
0x2f: {  	_ =	shalt  }

// kernel: _run.8.cloned.1.call-start
scs
__scs_entry_jumppad:
0x0: {  	(pc) =	sbr.rel $0x88, $3  }
0x1: {  	(tag) =	ssettag $0x0;
	lr =	simm.s32 $0x1  }
0x2: {  	[smem:$0x3F93] =	sst lr;
	_ =	strace $0xD0000000  }
0x3: {  	_ = 	snop  }
0x4: {  	_ = 	snop  }
0x5: {  	_ = 	snop  }
0x6: {  	_ = 	snop  }
0x7: {  	_ = 	snop  }
__scs_overlays_trampoline_lowered:
0x8: {  	[smem:$0x3FA2] =	sst s0  }
0x9: {  	[smem:$0x3FA3] =	sst s1  }
0xa: {  	[smem:$0x3FA4] =	sst s2  }
0xb: {  	[smem:$0x3FA5] =	sst s3  }
0xc: {  	[smem:$0x3FA6] =	sst s4  }
0xd: {  	[smem:$0x3FA7] =	sst s5  }
0xe: {  	[smem:$0x3FA8] =	sst s6  }
0xf: {  	[smem:$0x3FA9] =	sst s7  }
0x10: {  	[smem:$0x3FAA] =	sst s8  }
0x11: {  	[smem:$0x3FAB] =	sst s9;
	s0 =	simm.s32 @!p0 $0x0  }
0x12: {  	s1 =	sld [smem:$0x3F91];
	s0 =	simm.s32 @p0 $0x1  }
0x13: {  	[smem:$0x3FAC] =	sst s0;
	s0 =	simm.s32 @!p1 $0x0  }
0x14: {  	s2 =	sld [smem:$0x3F90];
	s0 =	simm.s32 @p1 $0x1  }
0x15: {  	[smem:$0x3FAD] =	sst s0;
	s0 =	simm.s32 @!p2 $0x0  }
0x16: {  	s3 =	sld [smem:$0x3FDB];
	s0 =	simm.s32 @p2 $0x1  }
0x17: {  	s4 =	simm.s32 $0x1BF5;
	[smem:$0x3FAF] =	sst s0  }
0x18: {  	s0 =	sld [smem:$0x3F92];
	_ =	swait.ge [sflag:s4], $0x0  }
0x19: {  	s7 =	sld [smem:$0x3F93]  }
0x1a: {  	s8 =	sadd.s32 $0xFFFFE003, lr  }
0x1b: {  	s9 =	sadd.s32 $0xFFFFFEF7, lr;
	s5 =	simm.s32 $0xFFFFFFFF;
	p2 =	slt.u32 s8, $0xFFFFF086  }
0x1c: {  	p1 =	slt.u32 s9, $0xF7A;
	s5 =	simm.s32 @!p2 $0x0  }
0x1d: {  	s5 =	simm.s32 @p1 $0x1;
	p0 =	seq.s32 s7, s2  }
0x1e: {  	s7 =	smul.u32 @!p0 $0xF7A, s2;
	p2 =	seq.s32 @!p0 s5, $0x0  }
0x1f: {  	s9 =	smul.u32 $0xF7A, s1;
	s8 =	simm.s32 @!p0 $0x1BF5;
	p2 =	por !p2, p0  }
0x20: {  	[sflag:s8] =	ssyncset.s32 @!p0 $0xFFFFF086;
	s6 =	sadd.s32 @!p0 s3, s7;
	s7 =	simm.s32 @!p0 $0x108  }
0x21: {  	s3 =	sadd.s32 s3, s9;
	s6 =	sadd.s32 @!p0 $0x88, s6;
	s7 =	simm.s32 @p2 $0x1082  }
0x22: {  	[simem:s7], [sflag:s8] =	dma.local @!p0 [hbm:s6], $0xF7A  }
0x23: {  	s9 =	sor.u32 $0xD0000000, s2;
	s6 =	simm.s32 $0x108;
	_ =	swait.ge @!p0 [sflag:s8], $0x0  }
0x24: {  	s3 =	sadd.s32 $0x88, s3;
	s6 =	simm.s32 @!p1 $0x1082;
	[sflag:s4] =	ssyncset.s32 $0xFFFFF086  }
0x25: {  	[simem:s6], [sflag:s4] =	dma.local [hbm:s3], $0xF7A  }
0x26: {  	[smem:$0x3F93] =	sst s1;
	(tag) =	ssettag s2;
	_ =	strace s9  }
0x27: {  	s1 =	sld [smem:$0x3FA3]  }
0x28: {  	s2 =	sld [smem:$0x3FA4]  }
0x29: {  	s4 =	sld [smem:$0x3FA6]  }
0x2a: {  	p0 =	seq.s32 s5, $0x0;
	s5 =	sld [smem:$0x3FA7]  }
0x2b: {  	s6 =	sld [smem:$0x3FA8]  }
0x2c: {  	s7 =	sld [smem:$0x3FA9]  }
0x2d: {  	s3 =	simm.s32 $0x108;
	s8 =	sld [smem:$0x3FAA]  }
0x2e: {  	s3 =	simm.s32 @!p0 $0x1082;
	s9 =	sld [smem:$0x3FAB]  }
0x2f: {  	lr =	sadd.s32 s0, s3;
	s0 =	sld [smem:$0x3FA2]  }
0x30: {  	s3 =	sld [smem:$0x3FA5]  }
0x31: {  	[smem:$0x3FAE] =	sst s10  }
0x32: {  	s10 =	sld [smem:$0x3FAC];
	_ =	sdelay $0x3  }
0x33: {  	p0 =	seq.s32 s10, $0x1;
	s10 =	sld [smem:$0x3FAE];
	_ =	sdelay $0x3  }
0x34: {  	[smem:$0x3FAE] =	sst s10  }
0x35: {  	s10 =	sld [smem:$0x3FAD];
	_ =	sdelay $0x3  }
0x36: {  	p1 =	seq.s32 s10, $0x1;
	s10 =	sld [smem:$0x3FAE];
	_ =	sdelay $0x3  }
0x37: {  	[smem:$0x3FAE] =	sst s10  }
0x38: {  	s10 =	sld [smem:$0x3FAF]  }
0x39: {  	_ = 	snop;
	(pc) =	sbr.ind lr, $3  }
0x3a: {  	_ = 	snop  }
0x3b: {  	_ = 	snop  }
0x3c: {  	p2 =	seq.s32 s10, $0x1;
	s10 =	sld [smem:$0x3FAE]  }
0x3d: {  	_ =	shalt  }
0x3e: {  	_ =	shalt  }
0x3f: {  	_ =	shalt  }
0x40: {  	_ =	shalt  }
0x41: {  	_ =	shalt  }
0x42: {  	_ =	shalt  }
0x43: {  	_ =	shalt  }
0x44: {  	_ =	shalt  }
0x45: {  	_ =	shalt  }
0x46: {  	_ =	shalt  }
0x47: {  	_ =	shalt  }
0x48: {  	_ =	shalt  }
0x49: {  	_ =	shalt  }
0x4a: {  	_ =	shalt  }
0x4b: {  	_ =	shalt  }
0x4c: {  	_ =	shalt  }
0x4d: {  	_ =	shalt  }
0x4e: {  	_ =	shalt  }
0x4f: {  	_ =	shalt  }
0x50: {  	_ =	shalt  }
0x51: {  	_ =	shalt  }
0x52: {  	_ =	shalt  }
0x53: {  	_ =	shalt  }
0x54: {  	_ =	shalt  }
0x55: {  	_ =	shalt  }
0x56: {  	_ =	shalt  }
0x57: {  	_ =	shalt  }
0x58: {  	_ =	shalt  }
0x59: {  	_ =	shalt  }
0x5a: {  	_ =	shalt  }
0x5b: {  	_ =	shalt  }
0x5c: {  	_ =	shalt  }
0x5d: {  	_ =	shalt  }
0x5e: {  	_ =	shalt  }
0x5f: {  	_ =	shalt  }
0x60: {  	_ =	shalt  }
0x61: {  	_ =	shalt  }
0x62: {  	_ =	shalt  }
0x63: {  	_ =	shalt  }
0x64: {  	_ =	shalt  }
0x65: {  	_ =	shalt  }
0x66: {  	_ =	shalt  }
0x67: {  	_ =	shalt  }
0x68: {  	_ =	shalt  }
0x69: {  	_ =	shalt  }
0x6a: {  	_ =	shalt  }
0x6b: {  	_ =	shalt  }
0x6c: {  	_ =	shalt  }
0x6d: {  	_ =	shalt  }
0x6e: {  	_ =	shalt  }
0x6f: {  	_ =	shalt  }
0x70: {  	_ =	shalt  }
0x71: {  	_ =	shalt  }
0x72: {  	_ =	shalt  }
0x73: {  	_ =	shalt  }
0x74: {  	_ =	shalt  }
0x75: {  	_ =	shalt  }
0x76: {  	_ =	shalt  }
0x77: {  	_ =	shalt  }
0x78: {  	_ =	shalt  }
0x79: {  	_ =	shalt  }
0x7a: {  	_ =	shalt  }
0x7b: {  	_ =	shalt  }
0x7c: {  	_ =	shalt  }
0x7d: {  	_ =	shalt  }
0x7e: {  	_ =	shalt  }
0x7f: {  	_ =	shalt  }
0x80: {  	_ =	shalt  }
0x81: {  	_ =	shalt  }
0x82: {  	_ =	shalt  }
0x83: {  	_ =	shalt  }
0x84: {  	_ =	shalt  }
0x85: {  	_ =	shalt  }
0x86: {  	_ =	shalt  }
0x87: {  	_ =	shalt  }
.Lfunc_end0:
.L_simem_size_0:
called_computation_lowered:
.L_overlay_start_0:
0x88: {  	s2 =	sld [smem:$0x3FD9]  }
0x89: {  	s3 =	sld [smem:$0x3FFE];
	_ =	sdelay $0x1  }
0x8a: {  	s1 =	srdreg.scid  }
0x8b: {  	s0 =	sand.u32 $0x1, s1  }
0x8c: {  	s15 =	sshll.u32 s0, $0xA;
	s2 =	sadd.s32 s3, s2  }
0x8d: {  	s2 =	sadd.s32 s2, s15  }
0x8e: {  	[smem:$0x3FBA] =	sst s2  }
0x8f: {  	_ = 	snop  }
0x90: {  	s2 =	sld [smem:$0x3FD0];
	_ =	sdelay $0x2  }
0x91: {  	s4 =	simm.s32 $0xB;
	s16 =	simm.s32 $0x10  }
0x92: {  	[smem:s16], [sflag:s4] =	dma.local [hbm:s2], $0x1  }
0x93: {  	_ =	swait.eq [sflag:s4], $0x1  }
0x94: {  	[sflag:s4] =	ssyncset.done $0x0  }
0x95: {  	s17 =	sld [smem:$0x11];
	[sflag:s4] =	ssyncadd.s32 $0xFFFFFFFF  }
0x96: {  	s18 =	sld [smem:$0x12];
	(tm) =	ssettm $0x1  }
0x97: {  	s19 =	sld [smem:$0x3FFB];
	_ =	sdelay $0x3  }
0x98: {  	_ =	strace s19  }
0x99: {  	s2 =	sld [smem:$0x3FFC];
	_ =	sdelay $0x3  }
0x9a: {  	_ =	strace s2  }
0x9b: {  	s2 =	sld [smem:$0x3FFD];
	_ =	sdelay $0x3  }
0x9c: {  	_ =	strace s2  }
0x9d: {  	_ =	strace $0x8FFFFFFF  }
0x9e: {  	s20 =	sld [smem:$0x3FDB];
	_ =	sdelay $0x1  }
0x9f: {  	s5 =	simm.s32 $_scs_section_size  }
0xa0: {  	s6 =	simm.s32 $_size__tile_overlayer_lowered;
	s7 =	simm.s32 $_tile_overlayer_lowered  }
0xa1: {  	s8 =	simm.s32 $0x1BFF;
	s21 =	sshll.u32 s7, $0x1;
	s5 =	sadd.s32 s5, s20  }
0xa2: {  	s22 =	simm.s32 $0x0;
	s6 =	sshll.u32 s6, $0x1;
	s7 =	sadd.s32 s21, s5  }
0xa3: {  	[timem:s22], [sflag:s8] =	dma.local [hbm:s7], s6  }
0xa4: {  	_ =	swait.ge [sflag:s8], s6  }
0xa5: {  	s6 =	ssub.s32 $0x0, s6;
	[sflag:s8] =	ssyncset.done $0x0  }
0xa6: {  	[sflag:s8] =	ssyncadd.s32 s6;
	_ =	sdelay $0x1  }
0xa7: {  	s23 =	simm.s32 $0x1B8B  }
0xa8: {  	_ =	swait.ge [sflag:s23], $0x1  }
0xa9: {  	[sflag:s23] =	ssyncset.done $0x0  }
0xaa: {  	[sflag:s23] =	ssyncadd.s32 $0xFFFFFFFF  }
0xab: {  	s6 =	sld [smem:$0x0]  }
0xac: {  	s7 =	sand.u32 $0xFFFFFFFE, s1  }
0xad: {  	p0 =	sne.s32 s1, s7  }
0xae: {  	s7 =	sshll.u32 @p0 s7, $0xE  }
0xaf: {  	s7 =	sadd.s32 @p0 $0x11B8D, s7;
	s8 =	sshll.u32 @p0 s6, $0x11  }
0xb0: {  	s7 =	sor.u32 @p0 s8, s7  }
0xb1: {  	[sflag:s7] =	ssyncadd.remote.s32 @p0 $0x1;
	_ =	sdelay $0x1  }
0xb2: {  	s7 =	simm.s32 @p0 $0x1B8D  }
0xb3: {  	_ =	swait.eq @p0 [sflag:s7], $0x1  }
0xb4: {  	[sflag:s7] =	ssyncadd.s32 @p0 $0xFFFFFFFF  }
0xb5: {  	s8 =	sshll.u32 @!p0 s1, $0xE  }
0xb6: {  	s8 =	sor.u32 @!p0 $0x4000, s8;
	s7 =	simm.s32 @!p0 $0x1B8D  }
0xb7: {  	s6 =	sshll.u32 @!p0 s6, $0x11;
	s8 =	sadd.s32 @!p0 $0x11B8D, s8;
	_ =	swait.eq @!p0 [sflag:s7], $0x1  }
0xb8: {  	s6 =	sor.u32 @!p0 s6, s8;
	[sflag:s7] =	ssyncadd.s32 @!p0 $0xFFFFFFFF  }
0xb9: {  	s25 =	simm.s32 $0x1B8E;
	s24 =	sld [smem:$0x3FFE];
	[sflag:s6] =	ssyncadd.remote.s32 @!p0 $0x1  }
0xba: {  	s26 =	simm.s32 $execute0_lowered;
	[smem:$0x3FD2] =	sst s25  }
0xbb: {  	s7 =	sshll.u32 s26, $0x1;
	_ =	strace $0x80000049;
	[dreg:$0x1] =	wrdreg $0xFFFFFFFF  }
0xbc: {  	s28 =	simm.s32 $_size_execute0_lowered;
	s5 =	sadd.s32 s5, s7;
	[dreg:$0x0] =	wrdreg $0x0  }
0xbd: {  	s7 =	sshll.u32 s28, $0x1;
	[dreg:$0x2] =	wrdreg s5  }
0xbe: {  	[dreg:$0x3] =	wrdreg s7  }
0xbf: {  	[dreg:$0x4] =	wrdreg $0xC0  }
0xc0: {  	_ =	task [dreg:s22], $0x5FFFF  }
0xc1: {  	[dreg:$0x1] =	wrdreg $0xFFFFFFFF  }
0xc2: {  	[dreg:$0x0] =	wrdreg $0x60  }
0xc3: {  	[dreg:$0x2] =	wrdreg s17  }
0xc4: {  	[dreg:$0x3] =	wrdreg s24  }
0xc5: {  	[dreg:$0x4] =	wrdreg s18  }
0xc6: {  	[dreg:$0x5] =	wrdreg $0x9  }
0xc7: {  	_ =	task.clear_ibuf [dreg:s22], $0x6FFFF;
	_ =	strace $0x90000049  }
0xc8: {  	s29 =	simm.s32 $0x9;
	_ =	strace $0x8000004B  }
0xc9: {  	_ =	swait.ge [sflag:s29], $0x1  }
0xca: {  	[sflag:s29] =	ssyncadd.s32 $0xFFFFFFFF  }
0xcb: {  	_ =	strace $0x9000004B  }
0xcc: {  	_ =	sfence  }
0xcd: {  	s30 =	sld [smem:$0x0];
	_ =	sdelay $0x2  }
0xce: {  	s31 =	sshll.u32 s1, $0xD;
	s1 =	sshrl.u32 s1, $0x2  }
0xcf: {  	s4 =	sand.u32 $0x4000, s31;
	s1 =	sadd.s32 s1, s30  }
0xd0: {  	s0 =	sor.u32 s4, s0;
	s1 =	sshll.u32 s1, $0x11  }
0xd1: {  	s0 =	sor.u32 s1, s0  }
0xd2: {  	s0 =	sadd.s32 $0x8F2B, s0  }
0xd3: {  	[sflag:s0] =	ssyncadd.remote.s32 $0x1  }
0xd4: {  	_ =	sfence.sel $0xFFFF  }
0xd5: {  	[dreg:$0x0] =	wrdreg $0xFFFFFFFF;
	(pc) =	sbr.abs _section_cstart, $3  }
0xd6: {  	[dreg:$0x1] =	wrdreg $0xFFFFFFFF  }
0xd7: {  	_ =	task.clear_ibuf [dreg:s22], $0x2FFFF;
	_ =	strace $0x9FFFFFFF  }
0xd8: {  	(tm) =	ssettm $0x7FFFFFFF  }
0xd9: {  	_ =	shalt  }
tec
execute0_lowered:
.L_overlay_start_1:
0x0: {  	(tag) =	ssettag $0x1  }
0x1: {  	s2 =	srdreg.scid  }
0x2: {  	s1 =	rddreg [dreg:$0x0];
	s0 =	stileid.u32;
	s6 =	sand.u32 $0x1, s2  }
0x3: {  	s4 =	rddreg [dreg:$0x1];
	s30 =	sshll.u32 s0, $0x8;
	s3 =	sshll.u32 s6, $0x7  }
0x4: {  	s8 =	rddreg [dreg:$0x2];
	s9 =	sor.u32 s3, s30  }
0x5: {  	s2 =	rddreg [dreg:$0x3];
	s3 =	simm.s32 $0x0;
	s5 =	sshrl.u32 s9, $0x3  }
0x6: {  	s10 =	ssub.s32 $0x2, s6;
	[smem:$0x7FF] =	sst s3;
	s4 =	sadd.s32 s5, s4  }
0x7: {  	_ =	strace $0x8000004A;
	s5 =	sadd.s32 $0x13400, s4;
	s4 =	simm.s32 $0x2  }
0x8: {  	[tilespmem:s3], [sflag:$0x2] =	stream.linear.gather [hbm4b:s5+s3], $0x80, $0x38;
	[tilespmem:$0x4080] =	vst v63  }
0x9: {  	s11 =	sshrl.u32 s10, $0x1;
	_ =	swait.ge [sflag:s4], $0x80  }
0xa: {  	s7 =	simm.s32 $0x1;
	s10 =	ssub.s32 s10, s11;
	[sflag:s4] =	ssyncset.done $0x0  }
0xb: {  	s6 =	simm.s32 $0x80;
	s31 =	smax.u32 s10, $0x1;
	[sflag:s4] =	ssyncadd.s32 $0xFFFFFF80  }
0xc: {  	[tilespmem:s6], [sflag:$0x1] =	stream.indirect.gather [hbm4b:s1+s6], $0x80, s3, s6, $0xb8;
	[tilespmem:$0x4080] =	vst v63  }
0xd: {  	p0 =	sne.s32 s31, $0x1;
	_ =	swait.ge [sflag:s7], $0x4000  }
.Ltmp0:
0xe: {  	s9 =	sshll.u32 s9, $0x4;
	[sflag:s7] =	ssyncset.done $0x0;
	(pc) =	sbr.rel @!p0 .LBB2_2-.Ltmp0, $4  }
0xf: {  	s8 =	sadd.s32 s8, s9;
	[sflag:s7] =	ssyncadd.s32 $0xFFFFC000  }
0x10: {  	[hbm4b:s8+s3] =	stream.linear.scatter [tilespmem:s6], [sflag:$0x2], $0x4000, $0x38;
	[tilespmem:$0x4080] =	vst v63  }
0x11: {  	_ =	swait.ge [sflag:s4], $0x4000  }
0x12: {  	s9 =	sadd.s32 $0xFFFFFFFF, s31;
	[sflag:s4] =	ssyncset.done $0x0  }
.LBB2_1:
0x13: {  	p0 =	sne.s32 s9, $0x1;
	s9 =	sadd.s32 $0xFFFFFFFF, s9;
	[sflag:s4] =	ssyncadd.s32 $0xFFFFC000  }
0x14: {  	[tilespmem:s3], [sflag:$0x2] =	stream.linear.gather [hbm4b:s5+s3], $0x80, $0x38;
	[tilespmem:$0x4080] =	vst v63  }
0x15: {  	_ =	swait.ge [sflag:s4], $0x80  }
0x16: {  	[sflag:s4] =	ssyncset.done $0x0  }
0x17: {  	[sflag:s4] =	ssyncadd.s32 $0xFFFFFF80  }
0x18: {  	[tilespmem:s6], [sflag:$0x1] =	stream.indirect.gather [hbm4b:s1+s6], $0x80, s3, s6, $0xb8;
	[tilespmem:$0x4080] =	vst v63  }
0x19: {  	_ =	swait.ge [sflag:s7], $0x4000  }
.Ltmp1:
0x1a: {  	[sflag:s7] =	ssyncset.done $0x0;
	(pc) =	sbr.rel @p0 .LBB2_1-.Ltmp1, $4  }
0x1b: {  	[sflag:s7] =	ssyncadd.s32 $0xFFFFC000  }
0x1c: {  	[hbm4b:s8+s3] =	stream.linear.scatter [tilespmem:s6], [sflag:$0x2], $0x4000, $0x38;
	[tilespmem:$0x4080] =	vst v63  }
0x1d: {  	_ =	swait.ge [sflag:s4], $0x4000  }
0x1e: {  	[sflag:s4] =	ssyncset.done $0x0  }
.LBB2_2:
0x1f: {  	[sflag:s4] =	ssyncadd.s32 $0xFFFFC000  }
0x20: {  	_ =	sfence.sel $0x180000  }
0x21: {  	[bflag:$0x0] =	sbarrier.arrive $0xFFFF  }
0x22: {  	p0 =	sne.s32 s0, $0x0;
	_ =	strace $0x9000004A  }
0x23: {  	s0 =	sadd.s32 @!p0 $0x100000, s2;
	[bflag:$0x2] =	sbarrier.arrive $0xFFFF  }
0x24: {  	[sflag:s0] =	ssyncadd.tile.s32 @!p0 $0x1;
	_ =	shalt  }
.Lfunc_end2:
_tile_overlayer_lowered:
.L_overlay_start_2:
0x25: {  	(tag) =	ssettag $0x2  }
0x26: {  	s0 =	rddreg [dreg:$0x0];
	s2 =	stileid.u32  }
0x27: {  	s1 =	rddreg [dreg:$0x1];
	p0 =	sne.s32 s2, $0x0  }
0x28: {  	s3 =	rddreg [dreg:$0x2];
	[bflag:$0x3] =	sbarrier.arrive $0xFFFF;
	s2 =	simm.s32 @!p0 $0x1C02  }
0x29: {  	[timem:s3], [sflag:s2] =	dma.local @!p0 [hbm:s0], s1  }
0x2a: {  	s0 =	simm.s32 @!p0 $0x2  }
0x2b: {  	_ =	swait.ge @!p0 [sflag:s0], s1  }
0x2c: {  	s1 =	ssub.s32 @!p0 $0x0, s1;
	[sflag:s0] =	ssyncset.done @!p0 $0x0  }
0x2d: {  	[sflag:s0] =	ssyncadd.s32 @!p0 s1  }
0x2e: {  	[bflag:$0x3] =	sbarrier.arrive $0xFFFF  }
0x2f: {  	_ =	shalt  }

</sc_bundles>
